<compile_context>
chip_gen: v7x
topology: tpu7x:2x2x1
jax: 0.10.2.dev20260603
libtpu: 0.0.44.dev20260713+nightly
codegen_flags: <defaults>
</compile_context>

<pallas_src>
import functools

import jax
import jax.numpy as jnp
from jax import lax
from jax.experimental import pallas as pl
from jax.experimental.pallas import tpu as pltpu
from jax.experimental.pallas import tpu_sc as plsc

_L = 512
_R = 1024
_V = 1024
_NK = 3125
_NW = 32
_SPW = _L // _NW


def _body(ep_hbm, res_map_hbm, res_counts_hbm, emb_hbm, sw_hbm, out_hbm,
          ep_v, cnt_v, rows_v, emb_v, sw_v, out_v,
          sem_ep, sem_cnt, sem_rows, sem_emb, sem_sw):
    cid = lax.axis_index("c")
    sid = lax.axis_index("s")
    wid = sid * 2 + cid
    base = wid * _SPW

    ep_cp = pltpu.async_copy(ep_hbm.at[pl.ds(base, _SPW)], ep_v, sem_ep)
    emb_cp = pltpu.async_copy(emb_hbm, emb_v, sem_emb)
    sw_cp = pltpu.async_copy(sw_hbm.at[pl.ds(base, _SPW)], sw_v, sem_sw)
    ep_cp.wait()
    cnt_cp = pltpu.async_copy(res_counts_hbm.at[ep_v], cnt_v, sem_cnt)
    rows_cp = pltpu.async_copy(res_map_hbm.at[ep_v], rows_v, sem_rows)
    emb_cp.wait()
    sw_cp.wait()
    cnt_cp.wait()
    rows_cp.wait()

    lanes = lax.iota(jnp.int32, 16)
    cnt = cnt_v[...]

    def site(si, sums):
        cnt_b = plsc.load_gather(cnt_v, [jnp.full((16,), si, jnp.int32)])
        cnt_s = jnp.max(cnt_b)
        nch = (cnt_s + 15) >> 4

        def chunk(j, acc):
            idx = rows_v[si, pl.ds(j * 16, 16)]
            vals = plsc.load_gather(emb_v, [idx])
            m = (j * 16 + lanes) < cnt_s
            return acc + jnp.where(m, vals, jnp.float32(0.0))

        acc = lax.fori_loop(0, nch, chunk, jnp.zeros((16,), jnp.float32))
        return jnp.where(lanes == si, jnp.sum(acc), sums)

    sums = lax.fori_loop(0, _SPW, site, jnp.zeros((16,), jnp.float32))

    avg_v = sums / cnt.astype(jnp.float32)
    out_v[...] = jnp.exp(avg_v + sw_v[...])
    pltpu.sync_copy(out_v, out_hbm.at[pl.ds(base, _SPW)])


@jax.jit
def _run(encoded_parent, res_map, res_counts, emb, sw):
    mesh = plsc.VectorSubcoreMesh(core_axis_name="c", subcore_axis_name="s")
    f = functools.partial(
        pl.kernel,
        out_type=jax.ShapeDtypeStruct((_L,), jnp.float32),
        mesh=mesh,
        compiler_params=pltpu.CompilerParams(needs_layout_passes=False),
        scratch_types=[
            pltpu.VMEM((_SPW,), jnp.int32),
            pltpu.VMEM((_SPW,), jnp.int32),
            pltpu.VMEM((_SPW, _R), jnp.int32),
            pltpu.VMEM((_V,), jnp.float32),
            pltpu.VMEM((_SPW,), jnp.float32),
            pltpu.VMEM((_SPW,), jnp.float32),
            pltpu.SemaphoreType.DMA,
            pltpu.SemaphoreType.DMA,
            pltpu.SemaphoreType.DMA,
            pltpu.SemaphoreType.DMA,
            pltpu.SemaphoreType.DMA,
        ],
    )(_body)
    return f(encoded_parent, res_map, res_counts, emb, sw)


def kernel(encoded_parent, kmer_emb, site_w, res_map, res_counts):
    emb = kmer_emb.reshape(-1)
    sw = site_w.reshape(-1)
    return _run(encoded_parent, res_map, res_counts, emb, sw)

# --- scband reference (transcript-rebuilt; emitter-appended) ---
"""Pipeline reference for scband-shmoof-model-39711267619066 (READ-ONLY COPY).

The authoritative reference and input builder live on the scoring server;
editing this copy changes nothing except your own understanding.
"""

import jax, jax.numpy as jnp
import numpy as np
import itertools

K = 5
MAX_LEN = 512


def _build_maps():
    pure = ["".join(p) for p in itertools.product("ACGT", repeat=K)]
    padded = ["".join(p) for p in itertools.product("ACGTN", repeat=K) if "N" in p]
    all_kmers = pure + padded  # non-N kmers occupy indices [0, 4^K)
    kmer_to_index = {k: i for i, k in enumerate(all_kmers)}
    max_res = 4 ** K
    res_map = np.zeros((len(all_kmers), max_res), dtype=np.int32)
    res_counts = np.zeros((len(all_kmers),), dtype=np.int32)
    for kmer, idx in kmer_to_index.items():
        if "N" in kmer:
            subs = []
            n = kmer.count("N")
            for repl in itertools.product("ACGT", repeat=n):
                t = kmer
                for b in repl:
                    t = t.replace("N", b, 1)
                subs.append(kmer_to_index[t])
        else:
            subs = [idx]
        res_counts[idx] = len(subs)
        res_map[idx, : len(subs)] = np.array(subs, dtype=np.int32)
    return res_map, res_counts, len(all_kmers), max_res


def setup_inputs(seed: int = 0):
    key = jax.random.key(seed)
    res_map, res_counts, total_kmers, resolved_count = _build_maps()
    k1, k2, k3 = jax.random.split(key, 3)
    encoded_parent = jax.random.randint(k1, (MAX_LEN,), 0, total_kmers, dtype=jnp.int32)
    kmer_emb = jax.random.normal(k2, (resolved_count, 1), dtype=jnp.float32) * 0.1
    site_w = jax.random.normal(k3, (MAX_LEN, 1), dtype=jnp.float32) * 0.1
    return {
        "encoded_parent": encoded_parent,
        "kmer_emb": kmer_emb,
        "site_w": site_w,
        "res_map": jnp.asarray(res_map),
        "res_counts": jnp.asarray(res_counts),
    }


def reference(encoded_parent, kmer_emb, site_w, res_map, res_counts):
    # get_log_kmer_rates: for each site, gather all resolved kmer indices for the
    # (possibly N-padded) kmer and average their embeddings.
    rm = res_map[encoded_parent]            # [L, R] gather
    cnt = res_counts[encoded_parent]        # [L]
    gathered = kmer_emb[rm]                 # [L, R, 1] embedding gather
    R = rm.shape[1]
    mask = (jnp.arange(R)[None, :] < cnt[:, None]).astype(kmer_emb.dtype)  # [L, R]
    summed = (gathered * mask[:, :, None]).sum(axis=1)                     # [L, 1]
    log_kmer_rates = (summed / cnt[:, None].astype(kmer_emb.dtype)).squeeze(-1)  # [L]
    positions = jnp.arange(encoded_parent.shape[0])
    log_site_rates = site_w[positions].squeeze(-1)                         # [L]
    rates = jnp.exp(log_kmer_rates + log_site_rates)
    return rates

if __name__ == "__main__":
    import jax
    _d = setup_inputs()
    print(jax.jit(kernel)(*tuple(_d.values())))

</pallas_src>

<mosaic_0001>
#map = affine_map<(d0, d1) -> (0)>
#map1 = affine_map<(d0, d1) -> (0, 0)>
module attributes {stable_mosaic.version = 14 : i64} {
  func.func @_body(%arg0: i32, %arg1: i32, %arg2: memref<512xi32, #tpu.memory_space<hbm>>, %arg3: memref<3125x1024xi32, #tpu.memory_space<hbm>>, %arg4: memref<3125xi32, #tpu.memory_space<hbm>>, %arg5: memref<1024xf32, #tpu.memory_space<hbm>>, %arg6: memref<512xf32, #tpu.memory_space<hbm>>, %arg7: memref<512xf32, #tpu.memory_space<hbm>>, %arg8: memref<16xi32, #tpu.memory_space<vmem>>, %arg9: memref<16xi32, #tpu.memory_space<vmem>>, %arg10: memref<16x1024xi32, #tpu.memory_space<vmem>>, %arg11: memref<1024xf32, #tpu.memory_space<vmem>>, %arg12: memref<16xf32, #tpu.memory_space<vmem>>, %arg13: memref<16xf32, #tpu.memory_space<vmem>>, %arg14: memref<!tpu.dma_semaphore, #tpu.memory_space<semaphore_mem>>, %arg15: memref<!tpu.dma_semaphore, #tpu.memory_space<semaphore_mem>>, %arg16: memref<!tpu.dma_semaphore, #tpu.memory_space<semaphore_mem>>, %arg17: memref<!tpu.dma_semaphore, #tpu.memory_space<semaphore_mem>>, %arg18: memref<!tpu.dma_semaphore, #tpu.memory_space<semaphore_mem>>) attributes {dimension_semantics = [#tpu.dimension_semantics<core_parallel>, #tpu.dimension_semantics<subcore_parallel>], iteration_bounds = array<i64: 2, 16>, scalar_prefetch = 0 : i64, scratch_operands = 11 : i64, tpu.core_type = #tpu.core_type<sc_vector_subcore>, window_params = [{transform_indices = #map}, {transform_indices = #map1}, {transform_indices = #map}, {transform_indices = #map}, {transform_indices = #map}, {transform_indices = #map}]} {
    %mul3A = arith.constant 2 : i32
    %mul3A_0 = arith.muli %arg1, %mul3A : i32
    %add3A = arith.addi %mul3A_0, %arg0 : i32
    %mul3A_1 = arith.constant 16 : i32
    %mul3A_2 = arith.muli %add3A, %mul3A_1 : i32
    %dma_start3A = tpu.memref_slice %arg2[%mul3A_2] : memref<512xi32, #tpu.memory_space<hbm>> -> memref<16xi32, #tpu.memory_space<hbm>>
    %dma_start3A_3 = tpu.memref_slice %arg2[%mul3A_2] : memref<512xi32, #tpu.memory_space<hbm>> -> memref<16xi32, #tpu.memory_space<hbm>>
    tpu.enqueue_dma source(%dma_start3A_3 : memref<16xi32, #tpu.memory_space<hbm>>) target(%arg8 : memref<16xi32, #tpu.memory_space<vmem>>) target_semaphore(%arg14 : memref<!tpu.dma_semaphore, #tpu.memory_space<semaphore_mem>>)
    tpu.enqueue_dma source(%arg5 : memref<1024xf32, #tpu.memory_space<hbm>>) target(%arg11 : memref<1024xf32, #tpu.memory_space<vmem>>) target_semaphore(%arg17 : memref<!tpu.dma_semaphore, #tpu.memory_space<semaphore_mem>>)
    %dma_start3A_4 = tpu.memref_slice %arg6[%mul3A_2] : memref<512xf32, #tpu.memory_space<hbm>> -> memref<16xf32, #tpu.memory_space<hbm>>
    %dma_start3A_5 = tpu.memref_slice %arg6[%mul3A_2] : memref<512xf32, #tpu.memory_space<hbm>> -> memref<16xf32, #tpu.memory_space<hbm>>
    tpu.enqueue_dma source(%dma_start3A_5 : memref<16xf32, #tpu.memory_space<hbm>>) target(%arg12 : memref<16xf32, #tpu.memory_space<vmem>>) target_semaphore(%arg18 : memref<!tpu.dma_semaphore, #tpu.memory_space<semaphore_mem>>)
    %dma_wait3A = tpu.memref_slice %arg2[%mul3A_2] : memref<512xi32, #tpu.memory_space<hbm>> -> memref<16xi32, #tpu.memory_space<hbm>>
    %dma_wait3A_6 = tpu.memref_slice %arg2[%mul3A_2] : memref<512xi32, #tpu.memory_space<hbm>> -> memref<16xi32, #tpu.memory_space<hbm>>
    tpu.wait_dma2 semaphore(%arg14 : memref<!tpu.dma_semaphore, #tpu.memory_space<semaphore_mem>>) src(%dma_wait3A_6 : memref<16xi32, #tpu.memory_space<hbm>>) dst(%arg8 : memref<16xi32, #tpu.memory_space<vmem>>)
    %dma_start3A_7 = arith.constant 0 : i32
    %dma_start3A_8 = tpu.memref_slice %arg4[%dma_start3A_7] : memref<3125xi32, #tpu.memory_space<hbm>> -> memref<3125xi32, #tpu.memory_space<hbm>>
    tpu.enqueue_indirect_dma source(%dma_start3A_8 : memref<3125xi32, #tpu.memory_space<hbm>>) target(%arg9 : memref<16xi32, #tpu.memory_space<vmem>>) offsets(%arg8 : memref<16xi32, #tpu.memory_space<vmem>>) semaphore(%arg15 : memref<!tpu.dma_semaphore, #tpu.memory_space<semaphore_mem>>)
    %dma_start3A_9 = arith.constant 0 : i32
    %dma_start3A_10 = arith.constant 0 : i32
    %dma_start3A_11 = tpu.memref_slice %arg3[%dma_start3A_9, %dma_start3A_10] : memref<3125x1024xi32, #tpu.memory_space<hbm>> -> memref<3125x1024xi32, #tpu.memory_space<hbm>>
    tpu.enqueue_indirect_dma source(%dma_start3A_11 : memref<3125x1024xi32, #tpu.memory_space<hbm>>) target(%arg10 : memref<16x1024xi32, #tpu.memory_space<vmem>>) offsets(%arg8 : memref<16xi32, #tpu.memory_space<vmem>>) semaphore(%arg16 : memref<!tpu.dma_semaphore, #tpu.memory_space<semaphore_mem>>)
    tpu.wait_dma2 semaphore(%arg17 : memref<!tpu.dma_semaphore, #tpu.memory_space<semaphore_mem>>) src(%arg5 : memref<1024xf32, #tpu.memory_space<hbm>>) dst(%arg11 : memref<1024xf32, #tpu.memory_space<vmem>>)
    %dma_wait3A_12 = tpu.memref_slice %arg6[%mul3A_2] : memref<512xf32, #tpu.memory_space<hbm>> -> memref<16xf32, #tpu.memory_space<hbm>>
    %dma_wait3A_13 = tpu.memref_slice %arg6[%mul3A_2] : memref<512xf32, #tpu.memory_space<hbm>> -> memref<16xf32, #tpu.memory_space<hbm>>
    tpu.wait_dma2 semaphore(%arg18 : memref<!tpu.dma_semaphore, #tpu.memory_space<semaphore_mem>>) src(%dma_wait3A_13 : memref<16xf32, #tpu.memory_space<hbm>>) dst(%arg12 : memref<16xf32, #tpu.memory_space<vmem>>)
    %dma_wait3A_14 = arith.constant 0 : i32
    %dma_wait3A_15 = tpu.memref_slice %arg4[%dma_wait3A_14] : memref<3125xi32, #tpu.memory_space<hbm>> -> memref<3125xi32, #tpu.memory_space<hbm>>
    tpu.wait_indirect_dma semaphore(%arg15 : memref<!tpu.dma_semaphore, #tpu.memory_space<semaphore_mem>>) src(%dma_wait3A_15 : memref<3125xi32, #tpu.memory_space<hbm>>) dst(%arg9 : memref<16xi32, #tpu.memory_space<vmem>>)
    %dma_wait3A_16 = arith.constant 0 : i32
    %dma_wait3A_17 = arith.constant 0 : i32
    %dma_wait3A_18 = tpu.memref_slice %arg3[%dma_wait3A_16, %dma_wait3A_17] : memref<3125x1024xi32, #tpu.memory_space<hbm>> -> memref<3125x1024xi32, #tpu.memory_space<hbm>>
    tpu.wait_indirect_dma semaphore(%arg16 : memref<!tpu.dma_semaphore, #tpu.memory_space<semaphore_mem>>) src(%dma_wait3A_18 : memref<3125x1024xi32, #tpu.memory_space<hbm>>) dst(%arg10 : memref<16x1024xi32, #tpu.memory_space<vmem>>)
    %iota3A = tpu.iota {dimensions = array<i32: 0>} : vector<16xi32>
    %get3A = arith.constant 0 : index
    %get3A_19 = tpu.vector_load %arg9[%get3A] {strides = array<i32>} : memref<16xi32, #tpu.memory_space<vmem>>, vector<16xi32>,
    %broadcast_in_dim3A = arith.constant 0.000000e+00 : f32
    %broadcast_in_dim3A_20 = vector.broadcast %broadcast_in_dim3A : f32 to vector<16xf32>
    %scan3A = arith.constant 0 : i32
    %scan3A_21 = arith.constant 16 : i32
    %scan3A_22 = arith.addi %scan3A, %scan3A_21 : i32
    %scan3A_23 = arith.constant 1 : i32
    %scan3A_24 = scf.for %scan3A_30 = %scan3A to %scan3A_22 step %scan3A_23 iter_args(%scan3A_31 = %broadcast_in_dim3A_20) -> (vector<16xf32>)  : i32 {
      %broadcast_in_dim3A_32 = vector.broadcast %scan3A_30 : i32 to vector<16xi32>
      %gather3A = tpu.vector_load_idx %arg9[%broadcast_in_dim3A_32] : memref<16xi32, #tpu.memory_space<vmem>>[vector<16xi32>], vector<16xi32>,
      %reduce_max3A = arith.constant true
      %reduce_max3A_33 = vector.broadcast %reduce_max3A : i1 to vector<16xi1>
      %reduce_max3A_34 = arith.constant -2147483648 : i32
      %reduce_max3A_35 = vector.broadcast %reduce_max3A_34 : i32 to vector<16xi32>
      %reduce_max3A_36 = arith.xori %gather3A, %reduce_max3A_35 : vector<16xi32>
      %reduce_max3A_37 = tpu.scan <max>, %reduce_max3A_36 masked %reduce_max3A_33 : vector<16xi32>, vector<16xi1> -> vector<16xi32>
      %reduce_max3A_38 = arith.xori %reduce_max3A_37, %reduce_max3A_35 : vector<16xi32>
      %reduce_max3A_39 = vector.extract %reduce_max3A_38[15] : i32 from vector<16xi32>
      %add3A_40 = arith.constant 15 : i32
      %add3A_41 = arith.addi %reduce_max3A_39, %add3A_40 : i32
      %shift_right_arithmetic3A = arith.constant 4 : i32
      %shift_right_arithmetic3A_42 = arith.shrsi %add3A_41, %shift_right_arithmetic3A : i32
      %broadcast_in_dim3A_43 = arith.constant 0.000000e+00 : f32
      %broadcast_in_dim3A_44 = vector.broadcast %broadcast_in_dim3A_43 : f32 to vector<16xf32>
      %while3A = arith.constant 0 : i32
      %while3A_45 = arith.subi %shift_right_arithmetic3A_42, %while3A : i32
      %while3A_46 = arith.addi %while3A, %while3A_45 : i32
      %while3A_47 = arith.constant 1 : i32
      %while3A_48 = arith.divsi %while3A_45, %while3A_47 : i32
      %while3A_49 = arith.muli %while3A_48, %while3A_47 : i32
      %while3A_50 = arith.addi %while3A, %while3A_49 : i32
      %while3A_51 = arith.constant 1 : i32
      %while3A_52 = scf.for %while3A_60 = %while3A to %while3A_50 step %while3A_51 iter_args(%while3A_61 = %broadcast_in_dim3A_44) -> (vector<16xf32>)  : i32 {
        %mul3A_62 = arith.constant 16 : i32
        %mul3A_63 = arith.muli %while3A_60, %mul3A_62 : i32
        %get3A_64 = arith.index_cast %scan3A_30 : i32 to index
        %get3A_65 = arith.index_cast %mul3A_63 : i32 to index
        %get3A_66 = tpu.vector_load %arg10[%get3A_64, %get3A_65] {strides = array<i32>} : memref<16x1024xi32, #tpu.memory_space<vmem>>, vector<16xi32>,
        %gather3A_67 = tpu.vector_load_idx %arg11[%get3A_66] : memref<1024xf32, #tpu.memory_space<vmem>>[vector<16xi32>], vector<16xf32>,
        %mul3A_68 = arith.constant 16 : i32
        %mul3A_69 = arith.muli %while3A_60, %mul3A_68 : i32
        %add3A_70 = vector.broadcast %mul3A_69 : i32 to vector<16xi32>
        %add3A_71 = arith.addi %add3A_70, %iota3A : vector<16xi32>
        %lt3A = vector.broadcast %reduce_max3A_39 : i32 to vector<16xi32>
        %lt3A_72 = arith.cmpi slt, %add3A_71, %lt3A : vector<16xi32>
        %jit3A = arith.constant 0.000000e+00 : f32
        %broadcast_in_dim3A_73 = vector.broadcast %jit3A : f32 to vector<16xf32>
        %select_n3A_74 = arith.select %lt3A_72, %gather3A_67, %broadcast_in_dim3A_73 : vector<16xi1>, vector<16xf32>
        %add3A_75 = arith.addf %while3A_61, %select_n3A_74 : vector<16xf32>
        scf.yield %add3A_75 : vector<16xf32>
      }
      %while3A_53 = arith.constant 1 : i32
      %while3A_54 = scf.for %while3A_60 = %while3A_50 to %while3A_46 step %while3A_53 iter_args(%while3A_61 = %while3A_52) -> (vector<16xf32>)  : i32 {
        %mul3A_62 = arith.constant 16 : i32
        %mul3A_63 = arith.muli %while3A_60, %mul3A_62 : i32
        %get3A_64 = arith.index_cast %scan3A_30 : i32 to index
        %get3A_65 = arith.index_cast %mul3A_63 : i32 to index
        %get3A_66 = tpu.vector_load %arg10[%get3A_64, %get3A_65] {strides = array<i32>} : memref<16x1024xi32, #tpu.memory_space<vmem>>, vector<16xi32>,
        %gather3A_67 = tpu.vector_load_idx %arg11[%get3A_66] : memref<1024xf32, #tpu.memory_space<vmem>>[vector<16xi32>], vector<16xf32>,
        %mul3A_68 = arith.constant 16 : i32
        %mul3A_69 = arith.muli %while3A_60, %mul3A_68 : i32
        %add3A_70 = vector.broadcast %mul3A_69 : i32 to vector<16xi32>
        %add3A_71 = arith.addi %add3A_70, %iota3A : vector<16xi32>
        %lt3A = vector.broadcast %reduce_max3A_39 : i32 to vector<16xi32>
        %lt3A_72 = arith.cmpi slt, %add3A_71, %lt3A : vector<16xi32>
        %jit3A = arith.constant 0.000000e+00 : f32
        %broadcast_in_dim3A_73 = vector.broadcast %jit3A : f32 to vector<16xf32>
        %select_n3A_74 = arith.select %lt3A_72, %gather3A_67, %broadcast_in_dim3A_73 : vector<16xi1>, vector<16xf32>
        %add3A_75 = arith.addf %while3A_61, %select_n3A_74 : vector<16xf32>
        scf.yield %add3A_75 : vector<16xf32>
      }
      %eq3A = vector.broadcast %scan3A_30 : i32 to vector<16xi32>
      %eq3A_55 = arith.cmpi eq, %iota3A, %eq3A : vector<16xi32>
      %reduce_sum3A = arith.constant true
      %reduce_sum3A_56 = vector.broadcast %reduce_sum3A : i1 to vector<16xi1>
      %reduce_sum3A_57 = tpu.scan <sum>, %while3A_54 masked %reduce_sum3A_56 : vector<16xf32>, vector<16xi1> -> vector<16xf32>
      %reduce_sum3A_58 = vector.extract %reduce_sum3A_57[15] : f32 from vector<16xf32>
      %broadcast_in_dim3A_59 = vector.broadcast %reduce_sum3A_58 : f32 to vector<16xf32>
      %select_n3A = arith.select %eq3A_55, %broadcast_in_dim3A_59, %scan3A_31 : vector<16xi1>, vector<16xf32>
      scf.yield %select_n3A : vector<16xf32>
    }
    %scan3A_25 = arith.constant 16 : i32
    %convert_element_type3A = arith.sitofp %get3A_19 : vector<16xi32> to vector<16xf32>
    %div3A = arith.divf %scan3A_24, %convert_element_type3A : vector<16xf32>
    %get3A_26 = arith.constant 0 : index
    %get3A_27 = tpu.vector_load %arg12[%get3A_26] {strides = array<i32>} : memref<16xf32, #tpu.memory_space<vmem>>, vector<16xf32>,
    %add3A_28 = arith.addf %div3A, %get3A_27 : vector<16xf32>
    %exp3A = math.exp %add3A_28 : vector<16xf32>
    %swap3A = arith.constant 0 : index
    %swap3A_29 = tpu.vector_load %arg13[%swap3A] {strides = array<i32>} : memref<16xf32, #tpu.memory_space<vmem>>, vector<16xf32>,
    tpu.vector_store %arg13[%swap3A], %exp3A {strides = array<i32>} : memref<16xf32, #tpu.memory_space<vmem>>, vector<16xf32>,
    "tpu.region"() ({
      %run_scoped3A = tpu.sem_alloc : memref<!tpu.dma_semaphore, #tpu.memory_space<semaphore_mem>>
      %dma_start3A_30 = tpu.memref_slice %arg7[%mul3A_2] : memref<512xf32, #tpu.memory_space<hbm>> -> memref<16xf32, #tpu.memory_space<hbm>>
      %dma_start3A_31 = tpu.memref_slice %arg7[%mul3A_2] : memref<512xf32, #tpu.memory_space<hbm>> -> memref<16xf32, #tpu.memory_space<hbm>>
      tpu.enqueue_dma source(%arg13 : memref<16xf32, #tpu.memory_space<vmem>>) target(%dma_start3A_31 : memref<16xf32, #tpu.memory_space<hbm>>) target_semaphore(%run_scoped3A : memref<!tpu.dma_semaphore, #tpu.memory_space<semaphore_mem>>)
      %dma_wait3A_32 = tpu.memref_slice %arg7[%mul3A_2] : memref<512xf32, #tpu.memory_space<hbm>> -> memref<16xf32, #tpu.memory_space<hbm>>
      %dma_wait3A_33 = tpu.memref_slice %arg7[%mul3A_2] : memref<512xf32, #tpu.memory_space<hbm>> -> memref<16xf32, #tpu.memory_space<hbm>>
      tpu.wait_dma2 semaphore(%run_scoped3A : memref<!tpu.dma_semaphore, #tpu.memory_space<semaphore_mem>>) src(%arg13 : memref<16xf32, #tpu.memory_space<vmem>>) dst(%dma_wait3A_33 : memref<16xf32, #tpu.memory_space<hbm>>)
      tpu.yield
    }) : () -> ()
    return
  }
}

</mosaic_0001>

<sc_bundles>
// kernel: _run.3.cloned.1.call-start
scs
__scs_entry_jumppad:
0x0: {  	(pc) =	sbr.rel $0x88, $3  }
0x1: {  	(tag) =	ssettag $0x0;
	lr =	simm.s32 $0x1  }
0x2: {  	[smem:$0x3F9C] =	sst lr;
	_ =	strace $0xD0000000  }
0x3: {  	_ = 	snop  }
0x4: {  	_ = 	snop  }
0x5: {  	_ = 	snop  }
0x6: {  	_ = 	snop  }
0x7: {  	_ = 	snop  }
__scs_overlays_trampoline_lowered:
0x8: {  	[smem:$0x3FAB] =	sst s0  }
0x9: {  	[smem:$0x3FAC] =	sst s1  }
0xa: {  	[smem:$0x3FAD] =	sst s2  }
0xb: {  	[smem:$0x3FAE] =	sst s3  }
0xc: {  	[smem:$0x3FAF] =	sst s4  }
0xd: {  	[smem:$0x3FB0] =	sst s5  }
0xe: {  	[smem:$0x3FB1] =	sst s6  }
0xf: {  	[smem:$0x3FB2] =	sst s7  }
0x10: {  	[smem:$0x3FB3] =	sst s8  }
0x11: {  	[smem:$0x3FB4] =	sst s9;
	s0 =	simm.s32 @!p0 $0x0  }
0x12: {  	s1 =	sld [smem:$0x3F9A];
	s0 =	simm.s32 @p0 $0x1  }
0x13: {  	[smem:$0x3FB5] =	sst s0;
	s0 =	simm.s32 @!p1 $0x0  }
0x14: {  	s2 =	sld [smem:$0x3F99];
	s0 =	simm.s32 @p1 $0x1  }
0x15: {  	[smem:$0x3FB6] =	sst s0;
	s0 =	simm.s32 @!p2 $0x0  }
0x16: {  	s3 =	sld [smem:$0x3FDB];
	s0 =	simm.s32 @p2 $0x1  }
0x17: {  	s4 =	simm.s32 $0x1BF5;
	[smem:$0x3FB8] =	sst s0  }
0x18: {  	s0 =	sld [smem:$0x3F9B];
	_ =	swait.ge [sflag:s4], $0x0  }
0x19: {  	s7 =	sld [smem:$0x3F9C]  }
0x1a: {  	s8 =	sadd.s32 $0xFFFFE003, lr  }
0x1b: {  	s9 =	sadd.s32 $0xFFFFFEF7, lr;
	s5 =	simm.s32 $0xFFFFFFFF;
	p2 =	slt.u32 s8, $0xFFFFF086  }
0x1c: {  	p1 =	slt.u32 s9, $0xF7A;
	s5 =	simm.s32 @!p2 $0x0  }
0x1d: {  	s5 =	simm.s32 @p1 $0x1;
	p0 =	seq.s32 s7, s2  }
0x1e: {  	s7 =	smul.u32 @!p0 $0xF7A, s2;
	p2 =	seq.s32 @!p0 s5, $0x0  }
0x1f: {  	s9 =	smul.u32 $0xF7A, s1;
	s8 =	simm.s32 @!p0 $0x1BF5;
	p2 =	por !p2, p0  }
0x20: {  	[sflag:s8] =	ssyncset.s32 @!p0 $0xFFFFF086;
	s6 =	sadd.s32 @!p0 s3, s7;
	s7 =	simm.s32 @!p0 $0x108  }
0x21: {  	s3 =	sadd.s32 s3, s9;
	s6 =	sadd.s32 @!p0 $0x88, s6;
	s7 =	simm.s32 @p2 $0x1082  }
0x22: {  	[simem:s7], [sflag:s8] =	dma.local @!p0 [hbm:s6], $0xF7A  }
0x23: {  	s9 =	sor.u32 $0xD0000000, s2;
	s6 =	simm.s32 $0x108;
	_ =	swait.ge @!p0 [sflag:s8], $0x0  }
0x24: {  	s3 =	sadd.s32 $0x88, s3;
	s6 =	simm.s32 @!p1 $0x1082;
	[sflag:s4] =	ssyncset.s32 $0xFFFFF086  }
0x25: {  	[simem:s6], [sflag:s4] =	dma.local [hbm:s3], $0xF7A  }
0x26: {  	[smem:$0x3F9C] =	sst s1;
	(tag) =	ssettag s2;
	_ =	strace s9  }
0x27: {  	s1 =	sld [smem:$0x3FAC]  }
0x28: {  	s2 =	sld [smem:$0x3FAD]  }
0x29: {  	s4 =	sld [smem:$0x3FAF]  }
0x2a: {  	p0 =	seq.s32 s5, $0x0;
	s5 =	sld [smem:$0x3FB0]  }
0x2b: {  	s6 =	sld [smem:$0x3FB1]  }
0x2c: {  	s7 =	sld [smem:$0x3FB2]  }
0x2d: {  	s3 =	simm.s32 $0x108;
	s8 =	sld [smem:$0x3FB3]  }
0x2e: {  	s3 =	simm.s32 @!p0 $0x1082;
	s9 =	sld [smem:$0x3FB4]  }
0x2f: {  	lr =	sadd.s32 s0, s3;
	s0 =	sld [smem:$0x3FAB]  }
0x30: {  	s3 =	sld [smem:$0x3FAE]  }
0x31: {  	[smem:$0x3FB7] =	sst s10  }
0x32: {  	s10 =	sld [smem:$0x3FB5];
	_ =	sdelay $0x3  }
0x33: {  	p0 =	seq.s32 s10, $0x1;
	s10 =	sld [smem:$0x3FB7];
	_ =	sdelay $0x3  }
0x34: {  	[smem:$0x3FB7] =	sst s10  }
0x35: {  	s10 =	sld [smem:$0x3FB6];
	_ =	sdelay $0x3  }
0x36: {  	p1 =	seq.s32 s10, $0x1;
	s10 =	sld [smem:$0x3FB7];
	_ =	sdelay $0x3  }
0x37: {  	[smem:$0x3FB7] =	sst s10  }
0x38: {  	s10 =	sld [smem:$0x3FB8]  }
0x39: {  	_ = 	snop;
	(pc) =	sbr.ind lr, $3  }
0x3a: {  	_ = 	snop  }
0x3b: {  	_ = 	snop  }
0x3c: {  	p2 =	seq.s32 s10, $0x1;
	s10 =	sld [smem:$0x3FB7]  }
0x3d: {  	_ =	shalt  }
0x3e: {  	_ =	shalt  }
0x3f: {  	_ =	shalt  }
0x40: {  	_ =	shalt  }
0x41: {  	_ =	shalt  }
0x42: {  	_ =	shalt  }
0x43: {  	_ =	shalt  }
0x44: {  	_ =	shalt  }
0x45: {  	_ =	shalt  }
0x46: {  	_ =	shalt  }
0x47: {  	_ =	shalt  }
0x48: {  	_ =	shalt  }
0x49: {  	_ =	shalt  }
0x4a: {  	_ =	shalt  }
0x4b: {  	_ =	shalt  }
0x4c: {  	_ =	shalt  }
0x4d: {  	_ =	shalt  }
0x4e: {  	_ =	shalt  }
0x4f: {  	_ =	shalt  }
0x50: {  	_ =	shalt  }
0x51: {  	_ =	shalt  }
0x52: {  	_ =	shalt  }
0x53: {  	_ =	shalt  }
0x54: {  	_ =	shalt  }
0x55: {  	_ =	shalt  }
0x56: {  	_ =	shalt  }
0x57: {  	_ =	shalt  }
0x58: {  	_ =	shalt  }
0x59: {  	_ =	shalt  }
0x5a: {  	_ =	shalt  }
0x5b: {  	_ =	shalt  }
0x5c: {  	_ =	shalt  }
0x5d: {  	_ =	shalt  }
0x5e: {  	_ =	shalt  }
0x5f: {  	_ =	shalt  }
0x60: {  	_ =	shalt  }
0x61: {  	_ =	shalt  }
0x62: {  	_ =	shalt  }
0x63: {  	_ =	shalt  }
0x64: {  	_ =	shalt  }
0x65: {  	_ =	shalt  }
0x66: {  	_ =	shalt  }
0x67: {  	_ =	shalt  }
0x68: {  	_ =	shalt  }
0x69: {  	_ =	shalt  }
0x6a: {  	_ =	shalt  }
0x6b: {  	_ =	shalt  }
0x6c: {  	_ =	shalt  }
0x6d: {  	_ =	shalt  }
0x6e: {  	_ =	shalt  }
0x6f: {  	_ =	shalt  }
0x70: {  	_ =	shalt  }
0x71: {  	_ =	shalt  }
0x72: {  	_ =	shalt  }
0x73: {  	_ =	shalt  }
0x74: {  	_ =	shalt  }
0x75: {  	_ =	shalt  }
0x76: {  	_ =	shalt  }
0x77: {  	_ =	shalt  }
0x78: {  	_ =	shalt  }
0x79: {  	_ =	shalt  }
0x7a: {  	_ =	shalt  }
0x7b: {  	_ =	shalt  }
0x7c: {  	_ =	shalt  }
0x7d: {  	_ =	shalt  }
0x7e: {  	_ =	shalt  }
0x7f: {  	_ =	shalt  }
0x80: {  	_ =	shalt  }
0x81: {  	_ =	shalt  }
0x82: {  	_ =	shalt  }
0x83: {  	_ =	shalt  }
0x84: {  	_ =	shalt  }
0x85: {  	_ =	shalt  }
0x86: {  	_ =	shalt  }
0x87: {  	_ =	shalt  }
.Lfunc_end0:
.L_simem_size_0:
called_computation_lowered:
.L_overlay_start_0:
0x88: {  	s2 =	sld [smem:$0x3FD9]  }
0x89: {  	s3 =	sld [smem:$0x3FFE];
	_ =	sdelay $0x1  }
0x8a: {  	s1 =	srdreg.scid  }
0x8b: {  	s0 =	sand.u32 $0x1, s1  }
0x8c: {  	s18 =	sshll.u32 s0, $0xA;
	s2 =	sadd.s32 s3, s2  }
0x8d: {  	s2 =	sadd.s32 s2, s18  }
0x8e: {  	[smem:$0x3FC3] =	sst s2  }
0x8f: {  	_ = 	snop  }
0x90: {  	s2 =	sld [smem:$0x3FC9]  }
0x91: {  	s19 =	sld [smem:$0x3FC8]  }
0x92: {  	s4 =	sld [smem:$0x3FC7]  }
0x93: {  	s5 =	sld [smem:$0x3FC6]  }
0x94: {  	s6 =	sld [smem:$0x3FC5]  }
0x95: {  	s7 =	sld [smem:$0x3FD0];
	(tm) =	ssettm $0x1  }
0x96: {  	s8 =	sld [smem:$0x3FFB];
	_ =	sdelay $0x3  }
0x97: {  	_ =	strace s8  }
0x98: {  	s8 =	sld [smem:$0x3FFC];
	_ =	sdelay $0x3  }
0x99: {  	_ =	strace s8  }
0x9a: {  	s8 =	sld [smem:$0x3FFD];
	_ =	sdelay $0x3  }
0x9b: {  	_ =	strace s8  }
0x9c: {  	_ =	strace $0x8FFFFFFF  }
0x9d: {  	s20 =	sld [smem:$0x3FDB];
	_ =	sdelay $0x1  }
0x9e: {  	s9 =	simm.s32 $_scs_section_size  }
0x9f: {  	s10 =	simm.s32 $_size__tile_overlayer_lowered;
	s11 =	simm.s32 $_tile_overlayer_lowered  }
0xa0: {  	s23 =	simm.s32 $0x1BFF;
	s22 =	sshll.u32 s11, $0x1;
	s8 =	sadd.s32 s9, s20  }
0xa1: {  	s12 =	simm.s32 $0x0;
	s21 =	sshll.u32 s10, $0x1;
	s10 =	sadd.s32 s22, s8  }
0xa2: {  	[timem:s12], [sflag:s23] =	dma.local [hbm:s10], s21  }
0xa3: {  	_ =	swait.ge [sflag:s23], s21  }
0xa4: {  	s9 =	ssub.s32 $0x0, s21;
	[sflag:s23] =	ssyncset.done $0x0  }
0xa5: {  	[sflag:s23] =	ssyncadd.s32 s9;
	_ =	sdelay $0x1  }
0xa6: {  	s24 =	simm.s32 $0x1B8B  }
0xa7: {  	_ =	swait.ge [sflag:s24], $0x1  }
0xa8: {  	[sflag:s24] =	ssyncset.done $0x0  }
0xa9: {  	s25 =	simm.s32 $0x1B8E;
	[sflag:s24] =	ssyncadd.s32 $0xFFFFFFFF  }
0xaa: {  	s26 =	simm.s32 $execute0_lowered;
	[smem:$0x3FD2] =	sst s25  }
0xab: {  	s9 =	sshll.u32 s26, $0x1;
	_ =	strace $0x80000046;
	[dreg:$0x1] =	wrdreg $0xFFFFFFFF  }
0xac: {  	s28 =	simm.s32 $_size_execute0_lowered;
	s8 =	sadd.s32 s8, s9;
	[dreg:$0x0] =	wrdreg $0x0  }
0xad: {  	s9 =	sshll.u32 s28, $0x1;
	[dreg:$0x2] =	wrdreg s8  }
0xae: {  	[dreg:$0x3] =	wrdreg s9  }
0xaf: {  	[dreg:$0x4] =	wrdreg $0xC0  }
0xb0: {  	_ =	task [dreg:s12], $0x5FFFF  }
0xb1: {  	[dreg:$0x1] =	wrdreg $0xFFFFFFFF  }
0xb2: {  	[dreg:$0x0] =	wrdreg $0x60  }
0xb3: {  	[dreg:$0x2] =	wrdreg s2  }
0xb4: {  	[dreg:$0x3] =	wrdreg s19  }
0xb5: {  	[dreg:$0x4] =	wrdreg s4  }
0xb6: {  	[dreg:$0x5] =	wrdreg s5  }
0xb7: {  	[dreg:$0x6] =	wrdreg s6  }
0xb8: {  	[dreg:$0x7] =	wrdreg s7  }
0xb9: {  	[dreg:$0x8] =	wrdreg $0x9  }
0xba: {  	_ =	task.clear_ibuf [dreg:s12], $0x9FFFF;
	_ =	strace $0x90000046  }
0xbb: {  	s29 =	simm.s32 $0x9;
	_ =	strace $0x80000048  }
0xbc: {  	_ =	swait.ge [sflag:s29], $0x1  }
0xbd: {  	[sflag:s29] =	ssyncadd.s32 $0xFFFFFFFF  }
0xbe: {  	_ =	strace $0x90000048  }
0xbf: {  	_ =	sfence  }
0xc0: {  	s30 =	sld [smem:$0x0];
	_ =	sdelay $0x2  }
0xc1: {  	s31 =	sshll.u32 s1, $0xD;
	s1 =	sshrl.u32 s1, $0x2  }
0xc2: {  	s3 =	sand.u32 $0x4000, s31;
	s1 =	sadd.s32 s1, s30  }
0xc3: {  	s0 =	sor.u32 s3, s0;
	s1 =	sshll.u32 s1, $0x11  }
0xc4: {  	s0 =	sor.u32 s1, s0  }
0xc5: {  	s0 =	sadd.s32 $0x8F2B, s0  }
0xc6: {  	[sflag:s0] =	ssyncadd.remote.s32 $0x1  }
0xc7: {  	_ =	sfence.sel $0xFFFF  }
0xc8: {  	[dreg:$0x0] =	wrdreg $0xFFFFFFFF;
	(pc) =	sbr.abs _section_cstart, $3  }
0xc9: {  	[dreg:$0x1] =	wrdreg $0xFFFFFFFF  }
0xca: {  	_ =	task.clear_ibuf [dreg:s12], $0x2FFFF;
	_ =	strace $0x9FFFFFFF  }
0xcb: {  	(tm) =	ssettm $0x7FFFFFFF  }
tec
execute0_lowered:
.L_overlay_start_1:
0x0: {  	(tag) =	ssettag $0x1  }
0x1: {  	s0 =	rddreg [dreg:$0x0]  }
0x2: {  	s1 =	rddreg [dreg:$0x1]  }
0x3: {  	s2 =	rddreg [dreg:$0x4]  }
0x4: {  	s3 =	rddreg [dreg:$0x5];
	s4 =	srdreg.scid  }
0x5: {  	s5 =	simm.s32 $0x0;
	s8 =	stileid.u32;
	s13 =	simm.s32 $0x4100  }
0x6: {  	s15 =	simm.s32 $0x1;
	s17 =	simm.s32 $0x80;
	s22 =	simm.s32 $0x2100  }
0x7: {  	s23 =	simm.s32 $0x2900;
	s24 =	simm.s32 $0x3100;
	s25 =	simm.s32 $0x3900  }
0x8: {  	s26 =	simm.s32 $0x4;
	s28 =	simm.s32 $0x5;
	s29 =	simm.s32 $0x2  }
0x9: {  	s30 =	simm.s32 $0x3;
	s31 =	simm.s32 $0x4580;
	s4 =	sand.u32 $0x1, s4  }
0xa: {  	[smem:$0x7FF] =	sst s5;
	s8 =	sshll.u32 s8, $0x2;
	s9 =	sadd.s32 $0x200, s1  }
.Ltmp0:
0xb: {  	s10 =	sadd.s32 $0x300, s1;
	s6 =	ssub.s32 $0x2, s4;
	(pc) =	sbr.rel .LBB2_1-.Ltmp0, $4  }
0xc: {  	s4 =	sshll.u32 s4, $0x1;
	_ =	strace $0x80000047;
	s7 =	sshrl.u32 s6, $0x1  }
0xd: {  	v0 =	vlaneseq.u32;
	s4 =	sor.u32 s4, s8;
	s8 =	sadd.s32 $0x100, s1;
	s12 =	ssub.s32 s6, s7  }
0xe: {  	vm0 =	vmmov $0xffff;
	v2 =	vshrl.u32 v0, $0x3;
	s6 =	sadd.s32 s0, s4;
	s7 =	sadd.s32 s2, s4;
	s11 =	sadd.s32 s3, s4  }
0xf: {  	v1 =	vand.u32 $0x7, v0;
	v3 =	vor.u32 $0x8, v0;
	v2 =	vmul.u32 $0x8, v2;
	s0 =	simm.s32 $0x6;
	s4 =	simm.s32 $0x0;
	s12 =	smax.u32 s12, $0x1  }
.LBB2_10:
0x10: {  	v5 =	vcvt.s32.f32 v5;
	_ =	sdelay $0x1  }
0x11: {  	(erf) = vrcp.f32 v5;
	_ =	sdelay $0x6  }
0x12: {  	v5 =	vld [tilespmem:$0x4500];
	_ =	sdelay $0x1  }
0x13: {  	v6 =	vpop (erf)  }
0x14: {  	v4 =	vmul.f32 v4, v6;
	_ =	sdelay $0x1  }
0x15: {  	v4 =	vadd.f32 v5, v4;
	_ =	sdelay $0x1  }
0x16: {  	v4 =	vmul.f32 $1.442695020e+00, v4;
	_ =	sdelay $0x1  }
0x17: {  	(erf) = vpow2.f32 v4;
	_ =	sdelay $0x7  }
0x18: {  	s4 =	sadd.s32 $0x1, s4  }
0x19: {  	p0 =	sne.s32 s4, s12;
	v4 =	vpop (erf)  }
.Ltmp1:
0x1a: {  	[tilespmem:$0x4580] =	vst v4;
	(pc) =	sbr.rel @!p0 .LBB2_11-.Ltmp1, $4  }
0x1b: {  	[hbm4b:s11+s5] =	stream.linear.scatter [tilespmem:s31], [sflag:$0x6], $0x10, $0x38;
	[tilespmem:$0x4600] =	vst v63  }
0x1c: {  	_ =	swait.ge [sflag:s0], $0x10  }
0x1d: {  	[sflag:s0] =	ssyncset.done $0x0  }
0x1e: {  	[sflag:s0] =	ssyncadd.s32 $0xFFFFFFF0  }
.LBB2_1:
0x1f: {  	[tilespmem:s5], [sflag:$0x1] =	stream.linear.gather [hbm4b:s6+s5], $0x10, $0x38;
	[tilespmem:$0x4600] =	vst v63  }
0x20: {  	s2 =	rddreg [dreg:$0x3]  }
0x21: {  	[tilespmem:s13], [sflag:$0x4] =	stream.linear.gather [hbm4b:s2+s5], $0x400, $0x38;
	[tilespmem:$0x4600] =	vst v63  }
0x22: {  	s14 =	simm.s32 $0x4500  }
0x23: {  	[tilespmem:s14], [sflag:$0x5] =	stream.linear.gather [hbm4b:s7+s5], $0x10, $0x38;
	[tilespmem:$0x4600] =	vst v63  }
0x24: {  	_ =	swait.ge [sflag:s15], $0x10  }
0x25: {  	[sflag:s15] =	ssyncset.done $0x0  }
0x26: {  	[sflag:s15] =	ssyncadd.s32 $0xFFFFFFF0  }
0x27: {  	s3 =	simm.s32 $0x10;
	s16 =	rddreg [dreg:$0x2]  }
0x28: {  	[tilespmem:s17], [sflag:$0x2] =	stream.indirect.gather [hbm4b:s16+s3], $0x1, s5, s3, $0xb8;
	[tilespmem:$0x4600] =	vst v63  }
0x29: {  	v4 =	vld [tilespmem:$0x0];
	_ =	sdelay $0x4  }
0x2a: {  	v5 =	vshll.u32 v4, $0x3  }
0x2b: {  	v4 =	vand.u32 $0x7, v4;
	v5 =	vand.u32 $0xFFFFFFC0, v5  }
0x2c: {  	v4 =	vor.u32 v4, v5  }
0x2d: {  	v5 =	vperm.xlane v4, v1;
	_ =	sdelay $0x1  }
0x2e: {  	v5 =	vadd.s32 v2, v5;
	_ =	sdelay $0x3  }
0x2f: {  	s18 =	simm.s32 $0x100  }
0x30: {  	[tilespmem:s18], [sflag:$0x3] =	stream.indirect_vreg.gather [hbm4b:s1+s5], $0x80, v5, vm0, $0xb8;
	[tilespmem:$0x4600] =	vst v63  }
0x31: {  	s19 =	simm.s32 $0x900;
	v4 =	vperm.xlane v4, v3  }
0x32: {  	[tilespmem:s19], [sflag:$0x3] =	stream.indirect_vreg.gather [hbm4b:s8+s5], $0x80, v5, vm0, $0xb8;
	[tilespmem:$0x4600] =	vst v63  }
0x33: {  	s20 =	simm.s32 $0x1100;
	v4 =	vadd.s32 v2, v4  }
0x34: {  	[tilespmem:s20], [sflag:$0x3] =	stream.indirect_vreg.gather [hbm4b:s9+s5], $0x80, v5, vm0, $0xb8;
	[tilespmem:$0x4600] =	vst v63  }
0x35: {  	s21 =	simm.s32 $0x1900  }
0x36: {  	[tilespmem:s21], [sflag:$0x3] =	stream.indirect_vreg.gather [hbm4b:s10+s5], $0x80, v5, vm0, $0xb8;
	[tilespmem:$0x4600] =	vst v63  }
0x37: {  	_ = 	snop  }
0x38: {  	[tilespmem:s22], [sflag:$0x3] =	stream.indirect_vreg.gather [hbm4b:s1+s5], $0x80, v4, vm0, $0xb8;
	[tilespmem:$0x4600] =	vst v63  }
0x39: {  	_ = 	snop  }
0x3a: {  	[tilespmem:s23], [sflag:$0x3] =	stream.indirect_vreg.gather [hbm4b:s8+s5], $0x80, v4, vm0, $0xb8;
	[tilespmem:$0x4600] =	vst v63  }
0x3b: {  	_ = 	snop  }
0x3c: {  	[tilespmem:s24], [sflag:$0x3] =	stream.indirect_vreg.gather [hbm4b:s9+s5], $0x80, v4, vm0, $0xb8;
	[tilespmem:$0x4600] =	vst v63  }
0x3d: {  	_ = 	snop  }
0x3e: {  	[tilespmem:s25], [sflag:$0x3] =	stream.indirect_vreg.gather [hbm4b:s10+s5], $0x80, v4, vm0, $0xb8;
	[tilespmem:$0x4600] =	vst v63  }
0x3f: {  	_ =	swait.ge [sflag:s26], $0x400  }
0x40: {  	[sflag:s26] =	ssyncset.done $0x0  }
0x41: {  	[sflag:s26] =	ssyncadd.s32 $0xFFFFFC00  }
0x42: {  	_ =	swait.ge [sflag:s28], $0x10  }
0x43: {  	[sflag:s28] =	ssyncset.done $0x0  }
0x44: {  	[sflag:s28] =	ssyncadd.s32 $0xFFFFFFF0  }
0x45: {  	_ =	swait.ge [sflag:s29], $0x10  }
0x46: {  	[sflag:s29] =	ssyncset.done $0x0  }
0x47: {  	[sflag:s29] =	ssyncadd.s32 $0xFFFFFFF0  }
0x48: {  	_ =	swait.ge [sflag:s30], $0x4000  }
0x49: {  	[sflag:s30] =	ssyncset.done $0x0  }
0x4a: {  	[sflag:s30] =	ssyncadd.s32 $0xFFFFC000  }
.Ltmp2:
0x4b: {  	v5 =	vld [tilespmem:$0x80];
	(pc) =	sbr.rel .LBB2_2-.Ltmp2, $2  }
0x4c: {  	_ =	sdelay $0x2  }
0x4d: {  	s2 =	simm.s32 $0x0;
	v4 =	vimm.f32 $0.0e+00  }
.LBB2_4:
0x4e: {  	s16 =	simm.s32 $0x0;
	v10 =	vimm.f32 $0.0e+00  }
.LBB2_8:
0x4f: {  	s18 =	sand.u32 $0x70, s16;
	s3 =	sadd.s32 s19, s3  }
0x50: {  	s3 =	sadd.s32 s18, s3  }
0x51: {  	v11 =	vld [tilespmem:s3+$0x0];
	_ =	sdelay $0x4  }
0x52: {  	v9 =	vld.idx.msk @p0 [tilespmem:v9+s13+$0x0], $0xffff;
	_ =	sdelay $0x2  }
0x53: {  	v12 =	vor.u32 @p0 s14, v0;
	v11 =	vld.idx.msk [tilespmem:v11+s13+$0x0], $0xffff  }
0x54: {  	vm1 =	vlt.s32 @p0 v12, v7  }
0x55: {  	v9 =	vnsel @p0 vm1, $0x0, v9  }
0x56: {  	v63 =	vor.u32 s16, v0;
	v9 =	vadd.f32 @p0 v9, v10  }
0x57: {  	vm1 =	vlt.s32 v63, v7  }
0x58: {  	v7 =	vpsel p0, v9, v8;
	v8 =	vnsel vm1, $0x0, v11  }
0x59: {  	v7 =	vadd.f32 v8, v7  }
.LBB2_9:
0x5a: {  	_ = 	snop  }
0x5b: {  	(xrf2) =	vadd.scan.msk.f32 $0xffff, v7;
	_ =	sdelay $0x6  }
0x5c: {  	s2 =	sadd.s32 $0x1, s2  }
0x5d: {  	p0 =	sne.s32 s2, $0x10  }
.Ltmp3:
0x5e: {  	_ = 	snop;
	(pc) =	sbr.rel @!p0 .LBB2_10-.Ltmp3, $4  }
0x5f: {  	v7, _, _ =	vpop (xrf2)  }
0x60: {  	v7 =	vbroadcast v7, $0xF  }
0x61: {  	vm1 =	veq.s32 v6, v0  }
0x62: {  	v4 =	vsel vm1, v7, v4  }
.LBB2_2:
0x63: {  	v6 =	vmov s2;
	_ =	sdelay $0x4  }
0x64: {  	v7 =	vld.idx.msk [tilespmem:v6+s17+$0x0], $0xffff;
	_ =	sdelay $0x4  }
0x65: {  	v7 =	vxor.u32 $0x80000000, v7  }
0x66: {  	(xrf0) =	vmax.scan.msk.u32 $0xffff, v7;
	_ =	sdelay $0x5  }
0x67: {  	v7, _, _ =	vpop (xrf0)  }
0x68: {  	(v2sf) =	vpush v7, $0xF;
	_ =	sdelay $0xe  }
0x69: {  	s3 =	spop (v2sf)  }
0x6a: {  	s14 =	sadd.s32 $0x8000000F, s3  }
0x6b: {  	s16 =	sshra.s32 s14, $0x4  }
0x6c: {  	p0 =	slt.s32 s16, $0x1  }
.Ltmp4:
0x6d: {  	_ = 	snop;
	(pc) =	sbr.rel @p0 .LBB2_9-.Ltmp4, $2  }
0x6e: {  	_ =	sdelay $0x2  }
0x6f: {  	v7 =	vimm.f32 $0.0e+00  }
0x70: {  	p1 =	sne.s32 s16, $0x1  }
.Ltmp5:
0x71: {  	_ = 	snop;
	(pc) =	sbr.rel @!p1 .LBB2_4-.Ltmp5, $4  }
0x72: {  	s14 =	sshll.u32 s2, $0xA;
	s18 =	sshll.u32 s2, $0x7  }
0x73: {  	s19 =	sxor.u32 $0x80000000, s3;
	s14 =	sand.u32 $0x2000, s14;
	s18 =	sand.u32 $0x380, s18  }
0x74: {  	s16 =	sadd.s32 $0xFFFFFFFF, s16;
	s21 =	sor.u32 s18, s14;
	s14 =	simm.s32 $0x0  }
0x75: {  	v8 =	vimm.f32 $0.0e+00;
	p0 =	por $0x0, $0x0;
	v7 =	vmov s19;
	s3 =	sadd.s32 $0x100, s21;
	s19 =	sand.u32 $0xFFFFFC00, s14  }
0x76: {  	s20 =	sand.u32 $0x70, s14;
	s19 =	sadd.s32 s19, s3  }
0x77: {  	s20 =	sadd.s32 s20, s19  }
0x78: {  	v9 =	vld [tilespmem:s20+$0x0]  }
0x79: {  	p1 =	sne.s32 s16, $0x1  }
.Ltmp6:
0x7a: {  	_ = 	snop;
	(pc) =	sbr.rel @!p1 .LBB2_6-.Ltmp6, $3  }
0x7b: {  	_ =	sdelay $0x1  }
0x7c: {  	s18 =	simm.s32 $0x80;
	p0 =	por $0x1, $0x1  }
0x7d: {  	v10 =	vimm.f32 $0.0e+00;
	s19 =	sand.u32 $0xFFFFFC00, s18;
	s20 =	sadd.s32 $0xFFFFFFFF, s16;
	s16 =	simm.s32 $0x10  }
.LBB2_7:
0x7e: {  	p1 =	sne.s32 s20, $0x1;
	s21 =	sand.u32 $0x70, s16;
	s19 =	sadd.s32 s19, s3  }
0x7f: {  	s19 =	sadd.s32 s21, s19;
	v11 =	vld.idx.msk [tilespmem:v9+s13+$0x0], $0xffff  }
0x80: {  	v9 =	vld [tilespmem:s19+$0x0];
	_ =	sdelay $0x1  }
.Ltmp7:
0x81: {  	(pc) =	sbr.rel @p1 .LBB2_7-.Ltmp7, $4  }
0x82: {  	v12 =	vor.u32 s14, v0;
	s14 =	smov.u32 s16  }
0x83: {  	vm1 =	vlt.s32 v12, v7  }
0x84: {  	s18 =	sadd.s32 $0x80, s18;
	v11 =	vnsel vm1, $0x0, v11  }
0x85: {  	s20 =	sadd.s32 $0xFFFFFFFF, s20;
	s16 =	sadd.s32 $0x10, s16;
	s19 =	sand.u32 $0xFFFFFC00, s18;
	v10 =	vadd.f32 v11, v10  }
.Ltmp8:
0x86: {  	_ = 	snop;
	(pc) =	sbr.rel .LBB2_8-.Ltmp8, $1  }
0x87: {  	_ =	sdelay $0x3  }
.LBB2_6:
.Ltmp9:
0x88: {  	(pc) =	sbr.rel .LBB2_8-.Ltmp9, $2  }
0x89: {  	_ =	sdelay $0x2  }
0x8a: {  	v10 =	vimm.f32 $0.0e+00  }
.LBB2_11:
0x8b: {  	_ =	sfence.sel $0x180000  }
0x8c: {  	[bflag:$0x0] =	sbarrier.arrive $0xFFFF  }
0x8d: {  	_ =	strace $0x90000047  }
0x8e: {  	s0 =	stileid.u32;
	[bflag:$0x2] =	sbarrier.arrive $0xFFFF  }
0x8f: {  	p0 =	sne.s32 s0, $0x0;
	s0 =	rddreg [dreg:$0x6]  }
0x90: {  	s0 =	sadd.s32 @!p0 $0x100000, s0  }
0x91: {  	[sflag:s0] =	ssyncadd.tile.s32 @!p0 $0x1;
	_ =	shalt  }
.Lfunc_end2:
_tile_overlayer_lowered:
.L_overlay_start_2:
0x92: {  	(tag) =	ssettag $0x2  }
0x93: {  	s0 =	rddreg [dreg:$0x0];
	s2 =	stileid.u32  }
0x94: {  	s1 =	rddreg [dreg:$0x1];
	p0 =	sne.s32 s2, $0x0  }
0x95: {  	s3 =	rddreg [dreg:$0x2];
	[bflag:$0x3] =	sbarrier.arrive $0xFFFF;
	s2 =	simm.s32 @!p0 $0x1C06  }
0x96: {  	[timem:s3], [sflag:s2] =	dma.local @!p0 [hbm:s0], s1  }
0x97: {  	s0 =	simm.s32 @!p0 $0x6  }
0x98: {  	_ =	swait.ge @!p0 [sflag:s0], s1  }
0x99: {  	s1 =	ssub.s32 @!p0 $0x0, s1;
	[sflag:s0] =	ssyncset.done @!p0 $0x0  }
0x9a: {  	[sflag:s0] =	ssyncadd.s32 @!p0 s1  }
0x9b: {  	[bflag:$0x3] =	sbarrier.arrive $0xFFFF  }
0x9c: {  	_ =	shalt  }

</sc_bundles>
